<compile_context>
chip_gen: v7x
topology: tpu7x:2x2x1
jax: 0.10.2.dev20260603
libtpu: 0.0.44.dev20260713+nightly
codegen_flags: <defaults>
</compile_context>

<pallas_src>
import functools

import jax
import jax.numpy as jnp
from jax import lax
from jax.experimental import pallas as pl
from jax.experimental.pallas import tpu as pltpu
from jax.experimental.pallas import tpu_sc as plsc

D = 768
C = 16
NSLOT = 4
EPS = 1e-12


@functools.partial(jax.jit, static_argnames=("n_tokens",))
def _gather_words(ids, word_emb, *, n_tokens):
    info = plsc.get_sparse_core_info()
    nw = info.num_cores * info.num_subcores
    n_per_w = n_tokens // nw
    n_chunks = n_per_w // C
    mesh = plsc.VectorSubcoreMesh(core_axis_name="c", subcore_axis_name="s")

    scratch = (
        [pltpu.VMEM((C, D), jnp.float32) for _ in range(NSLOT)]
        + [pltpu.VMEM((C,), jnp.int32) for _ in range(NSLOT)]
        + [pltpu.SemaphoreType.DMA for _ in range(3 * NSLOT)]
    )

    @functools.partial(
        pl.kernel,
        out_type=jax.ShapeDtypeStruct((n_tokens, D), jnp.float32),
        mesh=mesh,
        scratch_types=scratch,
    )
    def k(ids_hbm, word_hbm, out_hbm, *sc):
        rows = sc[0:4]
        idsv = sc[4:8]
        sem_ids = sc[8:12]
        sem_w = sc[12:16]
        sem_o = sc[16:20]

        cid = lax.axis_index("c")
        sid = lax.axis_index("s")
        wid = sid * info.num_cores + cid

        def base_of(kk):
            return wid * n_per_w + kk * C

        def issue_ids(kk, slot):
            pltpu.async_copy(ids_hbm.at[pl.ds(base_of(kk), C)], idsv[slot],
                             sem_ids[slot])

        def wait_ids(slot):
            pltpu.make_async_copy(ids_hbm.at[pl.ds(0, C)], idsv[slot],
                                  sem_ids[slot]).wait()

        def issue_word(slot):
            pltpu.async_copy(word_hbm.at[idsv[slot]], rows[slot],
                             sem_w[slot])

        def wait_word(slot):
            pltpu.make_async_copy(word_hbm.at[idsv[slot]], rows[slot],
                                  sem_w[slot]).wait()

        def issue_out(kk, slot):
            pltpu.async_copy(rows[slot], out_hbm.at[pl.ds(base_of(kk), C)],
                             sem_o[slot])

        def wait_out(slot):
            pltpu.make_async_copy(rows[slot], out_hbm.at[pl.ds(0, C)],
                                  sem_o[slot]).wait()

        issue_ids(0, 0)
        issue_ids(1, 1)
        issue_ids(2, 2)
        wait_ids(0)
        issue_word(0)

        def body(k0, carry):
            for p in range(NSLOT):
                kk = k0 * NSLOT + p
                p3 = (p + 3) % NSLOT
                sl1 = (p + 1) % NSLOT
                sl2 = (p + 2) % NSLOT

                @pl.when(kk + 3 < n_chunks)
                def _(p3=p3, kk=kk):
                    issue_ids(kk + 3, p3)

                @pl.when(kk >= 2)
                def _(sl2=sl2):
                    wait_out(sl2)

                @pl.when(kk + 1 < n_chunks)
                def _(sl1=sl1):
                    wait_ids(sl1)
                    issue_word(sl1)

                wait_word(p)
                issue_out(kk, p)
            return carry

        lax.fori_loop(0, n_chunks // NSLOT, body, 0)
        wait_out((n_chunks - 2) % NSLOT)
        wait_out((n_chunks - 1) % NSLOT)

    return k(ids, word_emb)


def _ln_math(stage_ref, tt_ref, pos_ref, type_ref, gamma_ref, beta_ref,
             out_ref):
    e = stage_ref[0] + pos_ref[...]
    tt = tt_ref[0, 0]
    types = jnp.where(tt[:, None] == 0, type_ref[0][None, :],
                      type_ref[1][None, :])
    e = e + types
    mean = jnp.mean(e, axis=-1, keepdims=True)
    var = jnp.mean(e * e, axis=-1, keepdims=True) - mean * mean
    inv = lax.rsqrt(var + EPS)
    out_ref[0] = (e - mean) * inv * gamma_ref[...] + beta_ref[...]


def _ln_body_first(stage_ref, tt_ref, pos_ref, type_ref, gamma_ref, beta_ref,
                   out_ref):
    _ln_math(stage_ref, tt_ref, pos_ref, type_ref, gamma_ref, beta_ref,
             out_ref)


def _ln_body_second(stage_ref, tt_ref, pos_ref, type_ref, gamma_ref,
                    beta_ref, prev_ref, out_ref):
    del prev_ref
    _ln_math(stage_ref, tt_ref, pos_ref, type_ref, gamma_ref, beta_ref,
             out_ref)


@functools.partial(jax.jit, static_argnames=("total_b", "off"))
def _ln_part(stage, tt3, pos_emb, type_emb, gamma, beta, prev, *,
             total_b, off):
    b, s, _ = stage.shape
    in_specs = [
        pl.BlockSpec((1, s, D), lambda i: (i, 0, 0)),
        pl.BlockSpec((1, 1, s), lambda i: (i, 0, 0)),
        pl.BlockSpec((s, D), lambda i: (0, 0)),
        pl.BlockSpec(type_emb.shape, lambda i: (0, 0)),
        pl.BlockSpec((D,), lambda i: (0,)),
        pl.BlockSpec((D,), lambda i: (0,)),
    ]
    args = [stage, tt3, pos_emb, type_emb, gamma, beta]
    kwargs = {}
    if prev is None:
        body = _ln_body_first
    else:
        body = _ln_body_second
        in_specs.append(pl.BlockSpec(memory_space=pltpu.MemorySpace.HBM))
        args.append(prev)
        kwargs["input_output_aliases"] = {6: 0}
    return pl.pallas_call(
        body,
        grid=(b,),
        in_specs=in_specs,
        out_specs=pl.BlockSpec((1, s, D), lambda i: (i + off, 0, 0)),
        out_shape=jax.ShapeDtypeStruct((total_b, s, D), jnp.float32),
        **kwargs,
    )(*args)


def kernel(input_ids, token_type_ids, attention_mask, word_emb, pos_emb,
           type_emb, gamma, beta):
    b, s = input_ids.shape
    nsplit = 8
    bh = b // nsplit
    ids_f = input_ids.reshape(-1)
    tt3 = token_type_ids.reshape(b, 1, s)
    stages = [
        _gather_words(ids_f[q * bh * s:(q + 1) * bh * s], word_emb,
                      n_tokens=bh * s)
        for q in range(nsplit)
    ]
    out = None
    for q in range(nsplit):
        out = _ln_part(stages[q].reshape(bh, s, D),
                       tt3[q * bh:(q + 1) * bh], pos_emb, type_emb,
                       gamma, beta, out, total_b=b, off=q * bh)
    return out, attention_mask

# --- scband reference (transcript-rebuilt; emitter-appended) ---
"""Pipeline reference for scband-bert-embeddings-57037165691022 (READ-ONLY COPY).

The authoritative reference and input builder live on the scoring server;
editing this copy changes nothing except your own understanding.
"""

import jax, jax.numpy as jnp
import numpy as np

VOCAB = 30522
HIDDEN = 768
MAX_POS = 512
TYPE_VOCAB = 2
EPS = 1e-12
B, S = 128, 512


def setup_inputs(seed: int = 0) -> dict:
    key = jax.random.key(seed)
    k1, k2, k3, k4, k5 = jax.random.split(key, 5)
    input_ids = jax.random.randint(k1, (B, S), 0, VOCAB, dtype=jnp.int64 if jax.config.jax_enable_x64 else jnp.int32).astype(jnp.int32)
    token_type_ids = jax.random.randint(k2, (B, S), 0, TYPE_VOCAB).astype(jnp.int32)
    attention_mask = jnp.ones((B, S), dtype=jnp.int32)
    word_emb = jax.random.normal(k3, (VOCAB, HIDDEN), dtype=jnp.float32) * 0.02
    pos_emb = jax.random.normal(k4, (MAX_POS, HIDDEN), dtype=jnp.float32) * 0.02
    type_emb = jax.random.normal(k5, (TYPE_VOCAB, HIDDEN), dtype=jnp.float32) * 0.02
    gamma = jnp.ones((HIDDEN,), dtype=jnp.float32)
    beta = jnp.zeros((HIDDEN,), dtype=jnp.float32)
    return {"input_ids": input_ids, "token_type_ids": token_type_ids, "attention_mask": attention_mask, "word_emb": word_emb, "pos_emb": pos_emb, "type_emb": type_emb, "gamma": gamma, "beta": beta}


def reference(input_ids, token_type_ids, attention_mask, word_emb, pos_emb, type_emb, gamma, beta):
    seq_len = input_ids.shape[1]
    position_ids = jnp.arange(seq_len, dtype=jnp.int32)
    words = jnp.take(word_emb, input_ids, axis=0)
    types = jnp.take(type_emb, token_type_ids, axis=0)
    positions = jnp.take(pos_emb, position_ids, axis=0)[None, :, :]
    e = words + types + positions
    mean = jnp.mean(e, axis=-1, keepdims=True)
    var = jnp.mean(jnp.square(e - mean), axis=-1, keepdims=True)
    embedding_output = (e - mean) / jnp.sqrt(var + EPS) * gamma + beta
    return (embedding_output, attention_mask)

if __name__ == "__main__":
    import jax
    _d = setup_inputs()
    print(jax.jit(kernel)(*tuple(_d.values())))

</pallas_src>

<mosaic_0001>
#map = affine_map<(d0, d1) -> (0)>
#map1 = affine_map<(d0, d1) -> (0, 0)>
module attributes {stable_mosaic.version = 14 : i64} {
  func.func @k(%arg0: i32, %arg1: i32, %arg2: memref<8192xi32, #tpu.memory_space<hbm>>, %arg3: memref<30522x768xf32, #tpu.memory_space<hbm>>, %arg4: memref<8192x768xf32, #tpu.memory_space<hbm>>, %arg5: memref<16x768xf32, #tpu.memory_space<vmem>>, %arg6: memref<16x768xf32, #tpu.memory_space<vmem>>, %arg7: memref<16x768xf32, #tpu.memory_space<vmem>>, %arg8: memref<16x768xf32, #tpu.memory_space<vmem>>, %arg9: memref<16xi32, #tpu.memory_space<vmem>>, %arg10: memref<16xi32, #tpu.memory_space<vmem>>, %arg11: memref<16xi32, #tpu.memory_space<vmem>>, %arg12: memref<16xi32, #tpu.memory_space<vmem>>, %arg13: memref<!tpu.dma_semaphore, #tpu.memory_space<semaphore_mem>>, %arg14: memref<!tpu.dma_semaphore, #tpu.memory_space<semaphore_mem>>, %arg15: memref<!tpu.dma_semaphore, #tpu.memory_space<semaphore_mem>>, %arg16: memref<!tpu.dma_semaphore, #tpu.memory_space<semaphore_mem>>, %arg17: memref<!tpu.dma_semaphore, #tpu.memory_space<semaphore_mem>>, %arg18: memref<!tpu.dma_semaphore, #tpu.memory_space<semaphore_mem>>, %arg19: memref<!tpu.dma_semaphore, #tpu.memory_space<semaphore_mem>>, %arg20: memref<!tpu.dma_semaphore, #tpu.memory_space<semaphore_mem>>, %arg21: memref<!tpu.dma_semaphore, #tpu.memory_space<semaphore_mem>>, %arg22: memref<!tpu.dma_semaphore, #tpu.memory_space<semaphore_mem>>, %arg23: memref<!tpu.dma_semaphore, #tpu.memory_space<semaphore_mem>>, %arg24: memref<!tpu.dma_semaphore, #tpu.memory_space<semaphore_mem>>) attributes {dimension_semantics = [#tpu.dimension_semantics<core_parallel>, #tpu.dimension_semantics<subcore_parallel>], iteration_bounds = array<i64: 2, 16>, scalar_prefetch = 0 : i64, scratch_operands = 20 : i64, tpu.core_type = #tpu.core_type<sc_vector_subcore>, window_params = [{transform_indices = #map}, {transform_indices = #map1}, {transform_indices = #map1}]} {
    %mul3A = arith.constant 2 : i32
    %mul3A_0 = arith.muli %arg1, %mul3A : i32
    %add3A = arith.addi %mul3A_0, %arg0 : i32
    %mul3A_1 = arith.constant 256 : i32
    %mul3A_2 = arith.muli %add3A, %mul3A_1 : i32
    %add3A_3 = arith.constant 0 : i32
    %add3A_4 = arith.addi %mul3A_2, %add3A_3 : i32
    %dma_start3A = tpu.memref_slice %arg2[%add3A_4] : memref<8192xi32, #tpu.memory_space<hbm>> -> memref<16xi32, #tpu.memory_space<hbm>>
    %dma_start3A_5 = tpu.memref_slice %arg2[%add3A_4] : memref<8192xi32, #tpu.memory_space<hbm>> -> memref<16xi32, #tpu.memory_space<hbm>>
    tpu.enqueue_dma source(%dma_start3A_5 : memref<16xi32, #tpu.memory_space<hbm>>) target(%arg9 : memref<16xi32, #tpu.memory_space<vmem>>) target_semaphore(%arg13 : memref<!tpu.dma_semaphore, #tpu.memory_space<semaphore_mem>>)
    %mul3A_6 = arith.constant 256 : i32
    %mul3A_7 = arith.muli %add3A, %mul3A_6 : i32
    %add3A_8 = arith.constant 16 : i32
    %add3A_9 = arith.addi %mul3A_7, %add3A_8 : i32
    %dma_start3A_10 = tpu.memref_slice %arg2[%add3A_9] : memref<8192xi32, #tpu.memory_space<hbm>> -> memref<16xi32, #tpu.memory_space<hbm>>
    %dma_start3A_11 = tpu.memref_slice %arg2[%add3A_9] : memref<8192xi32, #tpu.memory_space<hbm>> -> memref<16xi32, #tpu.memory_space<hbm>>
    tpu.enqueue_dma source(%dma_start3A_11 : memref<16xi32, #tpu.memory_space<hbm>>) target(%arg10 : memref<16xi32, #tpu.memory_space<vmem>>) target_semaphore(%arg14 : memref<!tpu.dma_semaphore, #tpu.memory_space<semaphore_mem>>)
    %mul3A_12 = arith.constant 256 : i32
    %mul3A_13 = arith.muli %add3A, %mul3A_12 : i32
    %add3A_14 = arith.constant 32 : i32
    %add3A_15 = arith.addi %mul3A_13, %add3A_14 : i32
    %dma_start3A_16 = tpu.memref_slice %arg2[%add3A_15] : memref<8192xi32, #tpu.memory_space<hbm>> -> memref<16xi32, #tpu.memory_space<hbm>>
    %dma_start3A_17 = tpu.memref_slice %arg2[%add3A_15] : memref<8192xi32, #tpu.memory_space<hbm>> -> memref<16xi32, #tpu.memory_space<hbm>>
    tpu.enqueue_dma source(%dma_start3A_17 : memref<16xi32, #tpu.memory_space<hbm>>) target(%arg11 : memref<16xi32, #tpu.memory_space<vmem>>) target_semaphore(%arg15 : memref<!tpu.dma_semaphore, #tpu.memory_space<semaphore_mem>>)
    %dma_wait3A = arith.constant 0 : i32
    %dma_wait3A_18 = tpu.memref_slice %arg2[%dma_wait3A] : memref<8192xi32, #tpu.memory_space<hbm>> -> memref<16xi32, #tpu.memory_space<hbm>>
    %dma_wait3A_19 = arith.constant 0 : i32
    %dma_wait3A_20 = tpu.memref_slice %arg2[%dma_wait3A_19] : memref<8192xi32, #tpu.memory_space<hbm>> -> memref<16xi32, #tpu.memory_space<hbm>>
    tpu.wait_dma2 semaphore(%arg13 : memref<!tpu.dma_semaphore, #tpu.memory_space<semaphore_mem>>) src(%dma_wait3A_20 : memref<16xi32, #tpu.memory_space<hbm>>) dst(%arg9 : memref<16xi32, #tpu.memory_space<vmem>>)
    %dma_start3A_21 = arith.constant 0 : i32
    %dma_start3A_22 = arith.constant 0 : i32
    %dma_start3A_23 = tpu.memref_slice %arg3[%dma_start3A_21, %dma_start3A_22] : memref<30522x768xf32, #tpu.memory_space<hbm>> -> memref<30522x768xf32, #tpu.memory_space<hbm>>
    tpu.enqueue_indirect_dma source(%dma_start3A_23 : memref<30522x768xf32, #tpu.memory_space<hbm>>) target(%arg5 : memref<16x768xf32, #tpu.memory_space<vmem>>) offsets(%arg9 : memref<16xi32, #tpu.memory_space<vmem>>) semaphore(%arg17 : memref<!tpu.dma_semaphore, #tpu.memory_space<semaphore_mem>>)
    %scan3A = arith.constant 0 : i32
    %scan3A_24 = arith.constant 0 : i32
    %scan3A_25 = arith.constant 4 : i32
    %scan3A_26 = arith.addi %scan3A_24, %scan3A_25 : i32
    %scan3A_27 = arith.constant 1 : i32
    scf.for %scan3A_41 = %scan3A_24 to %scan3A_26 step %scan3A_27  : i32 {
      %mul3A_42 = arith.constant 4 : i32
      %mul3A_43 = arith.muli %scan3A_41, %mul3A_42 : i32
      %add3A_44 = arith.constant 0 : i32
      %add3A_45 = arith.addi %mul3A_43, %add3A_44 : i32
      %add3A_46 = arith.constant 3 : i32
      %add3A_47 = arith.addi %add3A_45, %add3A_46 : i32
      %lt3A = arith.constant 16 : i32
      %lt3A_48 = arith.cmpi slt, %add3A_47, %lt3A : i32
      %convert_element_type3A = arith.extui %lt3A_48 : i1 to i32
      %cond3A = arith.constant 0 : i32
      %cond3A_49 = arith.cmpi ne, %convert_element_type3A, %cond3A : i32
      scf.if %cond3A_49 {
        %add3A_178 = arith.constant 3 : i32
        %add3A_179 = arith.addi %add3A_45, %add3A_178 : i32
        %mul3A_180 = arith.constant 256 : i32
        %mul3A_181 = arith.muli %add3A, %mul3A_180 : i32
        %mul3A_182 = arith.constant 16 : i32
        %mul3A_183 = arith.muli %add3A_179, %mul3A_182 : i32
        %add3A_184 = arith.addi %mul3A_181, %mul3A_183 : i32
        %dma_start3A_185 = tpu.memref_slice %arg2[%add3A_184] : memref<8192xi32, #tpu.memory_space<hbm>> -> memref<16xi32, #tpu.memory_space<hbm>>
        %dma_start3A_186 = tpu.memref_slice %arg2[%add3A_184] : memref<8192xi32, #tpu.memory_space<hbm>> -> memref<16xi32, #tpu.memory_space<hbm>>
        tpu.enqueue_dma source(%dma_start3A_186 : memref<16xi32, #tpu.memory_space<hbm>>) target(%arg12 : memref<16xi32, #tpu.memory_space<vmem>>) target_semaphore(%arg16 : memref<!tpu.dma_semaphore, #tpu.memory_space<semaphore_mem>>)
      } else {
      }
      %ge3A = arith.constant 2 : i32
      %ge3A_50 = arith.cmpi sge, %add3A_45, %ge3A : i32
      %convert_element_type3A_51 = arith.extui %ge3A_50 : i1 to i32
      %cond3A_52 = arith.constant 0 : i32
      %cond3A_53 = arith.cmpi ne, %convert_element_type3A_51, %cond3A_52 : i32
      scf.if %cond3A_53 {
        %dma_wait3A_178 = arith.constant 0 : i32
        %dma_wait3A_179 = arith.constant 0 : i32
        %dma_wait3A_180 = tpu.memref_slice %arg4[%dma_wait3A_178, %dma_wait3A_179] : memref<8192x768xf32, #tpu.memory_space<hbm>> -> memref<16x768xf32, #tpu.memory_space<hbm>>
        %dma_wait3A_181 = arith.constant 0 : i32
        %dma_wait3A_182 = arith.constant 0 : i32
        %dma_wait3A_183 = tpu.memref_slice %arg4[%dma_wait3A_181, %dma_wait3A_182] : memref<8192x768xf32, #tpu.memory_space<hbm>> -> memref<16x768xf32, #tpu.memory_space<hbm>>
        tpu.wait_dma2 semaphore(%arg23 : memref<!tpu.dma_semaphore, #tpu.memory_space<semaphore_mem>>) src(%arg7 : memref<16x768xf32, #tpu.memory_space<vmem>>) dst(%dma_wait3A_183 : memref<16x768xf32, #tpu.memory_space<hbm>>)
      } else {
      }
      %add3A_54 = arith.constant 1 : i32
      %add3A_55 = arith.addi %add3A_45, %add3A_54 : i32
      %lt3A_56 = arith.constant 16 : i32
      %lt3A_57 = arith.cmpi slt, %add3A_55, %lt3A_56 : i32
      %convert_element_type3A_58 = arith.extui %lt3A_57 : i1 to i32
      %cond3A_59 = arith.constant 0 : i32
      %cond3A_60 = arith.cmpi ne, %convert_element_type3A_58, %cond3A_59 : i32
      scf.if %cond3A_60 {
        %dma_wait3A_178 = arith.constant 0 : i32
        %dma_wait3A_179 = tpu.memref_slice %arg2[%dma_wait3A_178] : memref<8192xi32, #tpu.memory_space<hbm>> -> memref<16xi32, #tpu.memory_space<hbm>>
        %dma_wait3A_180 = arith.constant 0 : i32
        %dma_wait3A_181 = tpu.memref_slice %arg2[%dma_wait3A_180] : memref<8192xi32, #tpu.memory_space<hbm>> -> memref<16xi32, #tpu.memory_space<hbm>>
        tpu.wait_dma2 semaphore(%arg14 : memref<!tpu.dma_semaphore, #tpu.memory_space<semaphore_mem>>) src(%dma_wait3A_181 : memref<16xi32, #tpu.memory_space<hbm>>) dst(%arg10 : memref<16xi32, #tpu.memory_space<vmem>>)
        %dma_start3A_182 = arith.constant 0 : i32
        %dma_start3A_183 = arith.constant 0 : i32
        %dma_start3A_184 = tpu.memref_slice %arg3[%dma_start3A_182, %dma_start3A_183] : memref<30522x768xf32, #tpu.memory_space<hbm>> -> memref<30522x768xf32, #tpu.memory_space<hbm>>
        tpu.enqueue_indirect_dma source(%dma_start3A_184 : memref<30522x768xf32, #tpu.memory_space<hbm>>) target(%arg6 : memref<16x768xf32, #tpu.memory_space<vmem>>) offsets(%arg10 : memref<16xi32, #tpu.memory_space<vmem>>) semaphore(%arg18 : memref<!tpu.dma_semaphore, #tpu.memory_space<semaphore_mem>>)
      } else {
      }
      %dma_wait3A_61 = arith.constant 0 : i32
      %dma_wait3A_62 = arith.constant 0 : i32
      %dma_wait3A_63 = tpu.memref_slice %arg3[%dma_wait3A_61, %dma_wait3A_62] : memref<30522x768xf32, #tpu.memory_space<hbm>> -> memref<30522x768xf32, #tpu.memory_space<hbm>>
      tpu.wait_indirect_dma semaphore(%arg17 : memref<!tpu.dma_semaphore, #tpu.memory_space<semaphore_mem>>) src(%dma_wait3A_63 : memref<30522x768xf32, #tpu.memory_space<hbm>>) dst(%arg5 : memref<16x768xf32, #tpu.memory_space<vmem>>)
      %mul3A_64 = arith.constant 256 : i32
      %mul3A_65 = arith.muli %add3A, %mul3A_64 : i32
      %mul3A_66 = arith.constant 16 : i32
      %mul3A_67 = arith.muli %add3A_45, %mul3A_66 : i32
      %add3A_68 = arith.addi %mul3A_65, %mul3A_67 : i32
      %dma_start3A_69 = arith.constant 0 : i32
      %dma_start3A_70 = tpu.memref_slice %arg4[%add3A_68, %dma_start3A_69] : memref<8192x768xf32, #tpu.memory_space<hbm>> -> memref<16x768xf32, #tpu.memory_space<hbm>>
      %dma_start3A_71 = arith.constant 0 : i32
      %dma_start3A_72 = tpu.memref_slice %arg4[%add3A_68, %dma_start3A_71] : memref<8192x768xf32, #tpu.memory_space<hbm>> -> memref<16x768xf32, #tpu.memory_space<hbm>>
      tpu.enqueue_dma source(%arg5 : memref<16x768xf32, #tpu.memory_space<vmem>>) target(%dma_start3A_72 : memref<16x768xf32, #tpu.memory_space<hbm>>) target_semaphore(%arg21 : memref<!tpu.dma_semaphore, #tpu.memory_space<semaphore_mem>>)
      %mul3A_73 = arith.constant 4 : i32
      %mul3A_74 = arith.muli %scan3A_41, %mul3A_73 : i32
      %add3A_75 = arith.constant 1 : i32
      %add3A_76 = arith.addi %mul3A_74, %add3A_75 : i32
      %add3A_77 = arith.constant 3 : i32
      %add3A_78 = arith.addi %add3A_76, %add3A_77 : i32
      %lt3A_79 = arith.constant 16 : i32
      %lt3A_80 = arith.cmpi slt, %add3A_78, %lt3A_79 : i32
      %convert_element_type3A_81 = arith.extui %lt3A_80 : i1 to i32
      %cond3A_82 = arith.constant 0 : i32
      %cond3A_83 = arith.cmpi ne, %convert_element_type3A_81, %cond3A_82 : i32
      scf.if %cond3A_83 {
        %add3A_178 = arith.constant 3 : i32
        %add3A_179 = arith.addi %add3A_76, %add3A_178 : i32
        %mul3A_180 = arith.constant 256 : i32
        %mul3A_181 = arith.muli %add3A, %mul3A_180 : i32
        %mul3A_182 = arith.constant 16 : i32
        %mul3A_183 = arith.muli %add3A_179, %mul3A_182 : i32
        %add3A_184 = arith.addi %mul3A_181, %mul3A_183 : i32
        %dma_start3A_185 = tpu.memref_slice %arg2[%add3A_184] : memref<8192xi32, #tpu.memory_space<hbm>> -> memref<16xi32, #tpu.memory_space<hbm>>
        %dma_start3A_186 = tpu.memref_slice %arg2[%add3A_184] : memref<8192xi32, #tpu.memory_space<hbm>> -> memref<16xi32, #tpu.memory_space<hbm>>
        tpu.enqueue_dma source(%dma_start3A_186 : memref<16xi32, #tpu.memory_space<hbm>>) target(%arg9 : memref<16xi32, #tpu.memory_space<vmem>>) target_semaphore(%arg13 : memref<!tpu.dma_semaphore, #tpu.memory_space<semaphore_mem>>)
      } else {
      }
      %ge3A_84 = arith.constant 2 : i32
      %ge3A_85 = arith.cmpi sge, %add3A_76, %ge3A_84 : i32
      %convert_element_type3A_86 = arith.extui %ge3A_85 : i1 to i32
      %cond3A_87 = arith.constant 0 : i32
      %cond3A_88 = arith.cmpi ne, %convert_element_type3A_86, %cond3A_87 : i32
      scf.if %cond3A_88 {
        %dma_wait3A_178 = arith.constant 0 : i32
        %dma_wait3A_179 = arith.constant 0 : i32
        %dma_wait3A_180 = tpu.memref_slice %arg4[%dma_wait3A_178, %dma_wait3A_179] : memref<8192x768xf32, #tpu.memory_space<hbm>> -> memref<16x768xf32, #tpu.memory_space<hbm>>
        %dma_wait3A_181 = arith.constant 0 : i32
        %dma_wait3A_182 = arith.constant 0 : i32
        %dma_wait3A_183 = tpu.memref_slice %arg4[%dma_wait3A_181, %dma_wait3A_182] : memref<8192x768xf32, #tpu.memory_space<hbm>> -> memref<16x768xf32, #tpu.memory_space<hbm>>
        tpu.wait_dma2 semaphore(%arg24 : memref<!tpu.dma_semaphore, #tpu.memory_space<semaphore_mem>>) src(%arg8 : memref<16x768xf32, #tpu.memory_space<vmem>>) dst(%dma_wait3A_183 : memref<16x768xf32, #tpu.memory_space<hbm>>)
      } else {
      }
      %add3A_89 = arith.constant 1 : i32
      %add3A_90 = arith.addi %add3A_76, %add3A_89 : i32
      %lt3A_91 = arith.constant 16 : i32
      %lt3A_92 = arith.cmpi slt, %add3A_90, %lt3A_91 : i32
      %convert_element_type3A_93 = arith.extui %lt3A_92 : i1 to i32
      %cond3A_94 = arith.constant 0 : i32
      %cond3A_95 = arith.cmpi ne, %convert_element_type3A_93, %cond3A_94 : i32
      scf.if %cond3A_95 {
        %dma_wait3A_178 = arith.constant 0 : i32
        %dma_wait3A_179 = tpu.memref_slice %arg2[%dma_wait3A_178] : memref<8192xi32, #tpu.memory_space<hbm>> -> memref<16xi32, #tpu.memory_space<hbm>>
        %dma_wait3A_180 = arith.constant 0 : i32
        %dma_wait3A_181 = tpu.memref_slice %arg2[%dma_wait3A_180] : memref<8192xi32, #tpu.memory_space<hbm>> -> memref<16xi32, #tpu.memory_space<hbm>>
        tpu.wait_dma2 semaphore(%arg15 : memref<!tpu.dma_semaphore, #tpu.memory_space<semaphore_mem>>) src(%dma_wait3A_181 : memref<16xi32, #tpu.memory_space<hbm>>) dst(%arg11 : memref<16xi32, #tpu.memory_space<vmem>>)
        %dma_start3A_182 = arith.constant 0 : i32
        %dma_start3A_183 = arith.constant 0 : i32
        %dma_start3A_184 = tpu.memref_slice %arg3[%dma_start3A_182, %dma_start3A_183] : memref<30522x768xf32, #tpu.memory_space<hbm>> -> memref<30522x768xf32, #tpu.memory_space<hbm>>
        tpu.enqueue_indirect_dma source(%dma_start3A_184 : memref<30522x768xf32, #tpu.memory_space<hbm>>) target(%arg7 : memref<16x768xf32, #tpu.memory_space<vmem>>) offsets(%arg11 : memref<16xi32, #tpu.memory_space<vmem>>) semaphore(%arg19 : memref<!tpu.dma_semaphore, #tpu.memory_space<semaphore_mem>>)
      } else {
      }
      %dma_wait3A_96 = arith.constant 0 : i32
      %dma_wait3A_97 = arith.constant 0 : i32
      %dma_wait3A_98 = tpu.memref_slice %arg3[%dma_wait3A_96, %dma_wait3A_97] : memref<30522x768xf32, #tpu.memory_space<hbm>> -> memref<30522x768xf32, #tpu.memory_space<hbm>>
      tpu.wait_indirect_dma semaphore(%arg18 : memref<!tpu.dma_semaphore, #tpu.memory_space<semaphore_mem>>) src(%dma_wait3A_98 : memref<30522x768xf32, #tpu.memory_space<hbm>>) dst(%arg6 : memref<16x768xf32, #tpu.memory_space<vmem>>)
      %mul3A_99 = arith.constant 256 : i32
      %mul3A_100 = arith.muli %add3A, %mul3A_99 : i32
      %mul3A_101 = arith.constant 16 : i32
      %mul3A_102 = arith.muli %add3A_76, %mul3A_101 : i32
      %add3A_103 = arith.addi %mul3A_100, %mul3A_102 : i32
      %dma_start3A_104 = arith.constant 0 : i32
      %dma_start3A_105 = tpu.memref_slice %arg4[%add3A_103, %dma_start3A_104] : memref<8192x768xf32, #tpu.memory_space<hbm>> -> memref<16x768xf32, #tpu.memory_space<hbm>>
      %dma_start3A_106 = arith.constant 0 : i32
      %dma_start3A_107 = tpu.memref_slice %arg4[%add3A_103, %dma_start3A_106] : memref<8192x768xf32, #tpu.memory_space<hbm>> -> memref<16x768xf32, #tpu.memory_space<hbm>>
      tpu.enqueue_dma source(%arg6 : memref<16x768xf32, #tpu.memory_space<vmem>>) target(%dma_start3A_107 : memref<16x768xf32, #tpu.memory_space<hbm>>) target_semaphore(%arg22 : memref<!tpu.dma_semaphore, #tpu.memory_space<semaphore_mem>>)
      %mul3A_108 = arith.constant 4 : i32
      %mul3A_109 = arith.muli %scan3A_41, %mul3A_108 : i32
      %add3A_110 = arith.constant 2 : i32
      %add3A_111 = arith.addi %mul3A_109, %add3A_110 : i32
      %add3A_112 = arith.constant 3 : i32
      %add3A_113 = arith.addi %add3A_111, %add3A_112 : i32
      %lt3A_114 = arith.constant 16 : i32
      %lt3A_115 = arith.cmpi slt, %add3A_113, %lt3A_114 : i32
      %convert_element_type3A_116 = arith.extui %lt3A_115 : i1 to i32
      %cond3A_117 = arith.constant 0 : i32
      %cond3A_118 = arith.cmpi ne, %convert_element_type3A_116, %cond3A_117 : i32
      scf.if %cond3A_118 {
        %add3A_178 = arith.constant 3 : i32
        %add3A_179 = arith.addi %add3A_111, %add3A_178 : i32
        %mul3A_180 = arith.constant 256 : i32
        %mul3A_181 = arith.muli %add3A, %mul3A_180 : i32
        %mul3A_182 = arith.constant 16 : i32
        %mul3A_183 = arith.muli %add3A_179, %mul3A_182 : i32
        %add3A_184 = arith.addi %mul3A_181, %mul3A_183 : i32
        %dma_start3A_185 = tpu.memref_slice %arg2[%add3A_184] : memref<8192xi32, #tpu.memory_space<hbm>> -> memref<16xi32, #tpu.memory_space<hbm>>
        %dma_start3A_186 = tpu.memref_slice %arg2[%add3A_184] : memref<8192xi32, #tpu.memory_space<hbm>> -> memref<16xi32, #tpu.memory_space<hbm>>
        tpu.enqueue_dma source(%dma_start3A_186 : memref<16xi32, #tpu.memory_space<hbm>>) target(%arg10 : memref<16xi32, #tpu.memory_space<vmem>>) target_semaphore(%arg14 : memref<!tpu.dma_semaphore, #tpu.memory_space<semaphore_mem>>)
      } else {
      }
      %ge3A_119 = arith.constant 2 : i32
      %ge3A_120 = arith.cmpi sge, %add3A_111, %ge3A_119 : i32
      %convert_element_type3A_121 = arith.extui %ge3A_120 : i1 to i32
      %cond3A_122 = arith.constant 0 : i32
      %cond3A_123 = arith.cmpi ne, %convert_element_type3A_121, %cond3A_122 : i32
      scf.if %cond3A_123 {
        %dma_wait3A_178 = arith.constant 0 : i32
        %dma_wait3A_179 = arith.constant 0 : i32
        %dma_wait3A_180 = tpu.memref_slice %arg4[%dma_wait3A_178, %dma_wait3A_179] : memref<8192x768xf32, #tpu.memory_space<hbm>> -> memref<16x768xf32, #tpu.memory_space<hbm>>
        %dma_wait3A_181 = arith.constant 0 : i32
        %dma_wait3A_182 = arith.constant 0 : i32
        %dma_wait3A_183 = tpu.memref_slice %arg4[%dma_wait3A_181, %dma_wait3A_182] : memref<8192x768xf32, #tpu.memory_space<hbm>> -> memref<16x768xf32, #tpu.memory_space<hbm>>
        tpu.wait_dma2 semaphore(%arg21 : memref<!tpu.dma_semaphore, #tpu.memory_space<semaphore_mem>>) src(%arg5 : memref<16x768xf32, #tpu.memory_space<vmem>>) dst(%dma_wait3A_183 : memref<16x768xf32, #tpu.memory_space<hbm>>)
      } else {
      }
      %add3A_124 = arith.constant 1 : i32
      %add3A_125 = arith.addi %add3A_111, %add3A_124 : i32
      %lt3A_126 = arith.constant 16 : i32
      %lt3A_127 = arith.cmpi slt, %add3A_125, %lt3A_126 : i32
      %convert_element_type3A_128 = arith.extui %lt3A_127 : i1 to i32
      %cond3A_129 = arith.constant 0 : i32
      %cond3A_130 = arith.cmpi ne, %convert_element_type3A_128, %cond3A_129 : i32
      scf.if %cond3A_130 {
        %dma_wait3A_178 = arith.constant 0 : i32
        %dma_wait3A_179 = tpu.memref_slice %arg2[%dma_wait3A_178] : memref<8192xi32, #tpu.memory_space<hbm>> -> memref<16xi32, #tpu.memory_space<hbm>>
        %dma_wait3A_180 = arith.constant 0 : i32
        %dma_wait3A_181 = tpu.memref_slice %arg2[%dma_wait3A_180] : memref<8192xi32, #tpu.memory_space<hbm>> -> memref<16xi32, #tpu.memory_space<hbm>>
        tpu.wait_dma2 semaphore(%arg16 : memref<!tpu.dma_semaphore, #tpu.memory_space<semaphore_mem>>) src(%dma_wait3A_181 : memref<16xi32, #tpu.memory_space<hbm>>) dst(%arg12 : memref<16xi32, #tpu.memory_space<vmem>>)
        %dma_start3A_182 = arith.constant 0 : i32
        %dma_start3A_183 = arith.constant 0 : i32
        %dma_start3A_184 = tpu.memref_slice %arg3[%dma_start3A_182, %dma_start3A_183] : memref<30522x768xf32, #tpu.memory_space<hbm>> -> memref<30522x768xf32, #tpu.memory_space<hbm>>
        tpu.enqueue_indirect_dma source(%dma_start3A_184 : memref<30522x768xf32, #tpu.memory_space<hbm>>) target(%arg8 : memref<16x768xf32, #tpu.memory_space<vmem>>) offsets(%arg12 : memref<16xi32, #tpu.memory_space<vmem>>) semaphore(%arg20 : memref<!tpu.dma_semaphore, #tpu.memory_space<semaphore_mem>>)
      } else {
      }
      %dma_wait3A_131 = arith.constant 0 : i32
      %dma_wait3A_132 = arith.constant 0 : i32
      %dma_wait3A_133 = tpu.memref_slice %arg3[%dma_wait3A_131, %dma_wait3A_132] : memref<30522x768xf32, #tpu.memory_space<hbm>> -> memref<30522x768xf32, #tpu.memory_space<hbm>>
      tpu.wait_indirect_dma semaphore(%arg19 : memref<!tpu.dma_semaphore, #tpu.memory_space<semaphore_mem>>) src(%dma_wait3A_133 : memref<30522x768xf32, #tpu.memory_space<hbm>>) dst(%arg7 : memref<16x768xf32, #tpu.memory_space<vmem>>)
      %mul3A_134 = arith.constant 256 : i32
      %mul3A_135 = arith.muli %add3A, %mul3A_134 : i32
      %mul3A_136 = arith.constant 16 : i32
      %mul3A_137 = arith.muli %add3A_111, %mul3A_136 : i32
      %add3A_138 = arith.addi %mul3A_135, %mul3A_137 : i32
      %dma_start3A_139 = arith.constant 0 : i32
      %dma_start3A_140 = tpu.memref_slice %arg4[%add3A_138, %dma_start3A_139] : memref<8192x768xf32, #tpu.memory_space<hbm>> -> memref<16x768xf32, #tpu.memory_space<hbm>>
      %dma_start3A_141 = arith.constant 0 : i32
      %dma_start3A_142 = tpu.memref_slice %arg4[%add3A_138, %dma_start3A_141] : memref<8192x768xf32, #tpu.memory_space<hbm>> -> memref<16x768xf32, #tpu.memory_space<hbm>>
      tpu.enqueue_dma source(%arg7 : memref<16x768xf32, #tpu.memory_space<vmem>>) target(%dma_start3A_142 : memref<16x768xf32, #tpu.memory_space<hbm>>) target_semaphore(%arg23 : memref<!tpu.dma_semaphore, #tpu.memory_space<semaphore_mem>>)
      %mul3A_143 = arith.constant 4 : i32
      %mul3A_144 = arith.muli %scan3A_41, %mul3A_143 : i32
      %add3A_145 = arith.constant 3 : i32
      %add3A_146 = arith.addi %mul3A_144, %add3A_145 : i32
      %add3A_147 = arith.constant 3 : i32
      %add3A_148 = arith.addi %add3A_146, %add3A_147 : i32
      %lt3A_149 = arith.constant 16 : i32
      %lt3A_150 = arith.cmpi slt, %add3A_148, %lt3A_149 : i32
      %convert_element_type3A_151 = arith.extui %lt3A_150 : i1 to i32
      %cond3A_152 = arith.constant 0 : i32
      %cond3A_153 = arith.cmpi ne, %convert_element_type3A_151, %cond3A_152 : i32
      scf.if %cond3A_153 {
        %add3A_178 = arith.constant 3 : i32
        %add3A_179 = arith.addi %add3A_146, %add3A_178 : i32
        %mul3A_180 = arith.constant 256 : i32
        %mul3A_181 = arith.muli %add3A, %mul3A_180 : i32
        %mul3A_182 = arith.constant 16 : i32
        %mul3A_183 = arith.muli %add3A_179, %mul3A_182 : i32
        %add3A_184 = arith.addi %mul3A_181, %mul3A_183 : i32
        %dma_start3A_185 = tpu.memref_slice %arg2[%add3A_184] : memref<8192xi32, #tpu.memory_space<hbm>> -> memref<16xi32, #tpu.memory_space<hbm>>
        %dma_start3A_186 = tpu.memref_slice %arg2[%add3A_184] : memref<8192xi32, #tpu.memory_space<hbm>> -> memref<16xi32, #tpu.memory_space<hbm>>
        tpu.enqueue_dma source(%dma_start3A_186 : memref<16xi32, #tpu.memory_space<hbm>>) target(%arg11 : memref<16xi32, #tpu.memory_space<vmem>>) target_semaphore(%arg15 : memref<!tpu.dma_semaphore, #tpu.memory_space<semaphore_mem>>)
      } else {
      }
      %ge3A_154 = arith.constant 2 : i32
      %ge3A_155 = arith.cmpi sge, %add3A_146, %ge3A_154 : i32
      %convert_element_type3A_156 = arith.extui %ge3A_155 : i1 to i32
      %cond3A_157 = arith.constant 0 : i32
      %cond3A_158 = arith.cmpi ne, %convert_element_type3A_156, %cond3A_157 : i32
      scf.if %cond3A_158 {
        %dma_wait3A_178 = arith.constant 0 : i32
        %dma_wait3A_179 = arith.constant 0 : i32
        %dma_wait3A_180 = tpu.memref_slice %arg4[%dma_wait3A_178, %dma_wait3A_179] : memref<8192x768xf32, #tpu.memory_space<hbm>> -> memref<16x768xf32, #tpu.memory_space<hbm>>
        %dma_wait3A_181 = arith.constant 0 : i32
        %dma_wait3A_182 = arith.constant 0 : i32
        %dma_wait3A_183 = tpu.memref_slice %arg4[%dma_wait3A_181, %dma_wait3A_182] : memref<8192x768xf32, #tpu.memory_space<hbm>> -> memref<16x768xf32, #tpu.memory_space<hbm>>
        tpu.wait_dma2 semaphore(%arg22 : memref<!tpu.dma_semaphore, #tpu.memory_space<semaphore_mem>>) src(%arg6 : memref<16x768xf32, #tpu.memory_space<vmem>>) dst(%dma_wait3A_183 : memref<16x768xf32, #tpu.memory_space<hbm>>)
      } else {
      }
      %add3A_159 = arith.constant 1 : i32
      %add3A_160 = arith.addi %add3A_146, %add3A_159 : i32
      %lt3A_161 = arith.constant 16 : i32
      %lt3A_162 = arith.cmpi slt, %add3A_160, %lt3A_161 : i32
      %convert_element_type3A_163 = arith.extui %lt3A_162 : i1 to i32
      %cond3A_164 = arith.constant 0 : i32
      %cond3A_165 = arith.cmpi ne, %convert_element_type3A_163, %cond3A_164 : i32
      scf.if %cond3A_165 {
        %dma_wait3A_178 = arith.constant 0 : i32
        %dma_wait3A_179 = tpu.memref_slice %arg2[%dma_wait3A_178] : memref<8192xi32, #tpu.memory_space<hbm>> -> memref<16xi32, #tpu.memory_space<hbm>>
        %dma_wait3A_180 = arith.constant 0 : i32
        %dma_wait3A_181 = tpu.memref_slice %arg2[%dma_wait3A_180] : memref<8192xi32, #tpu.memory_space<hbm>> -> memref<16xi32, #tpu.memory_space<hbm>>
        tpu.wait_dma2 semaphore(%arg13 : memref<!tpu.dma_semaphore, #tpu.memory_space<semaphore_mem>>) src(%dma_wait3A_181 : memref<16xi32, #tpu.memory_space<hbm>>) dst(%arg9 : memref<16xi32, #tpu.memory_space<vmem>>)
        %dma_start3A_182 = arith.constant 0 : i32
        %dma_start3A_183 = arith.constant 0 : i32
        %dma_start3A_184 = tpu.memref_slice %arg3[%dma_start3A_182, %dma_start3A_183] : memref<30522x768xf32, #tpu.memory_space<hbm>> -> memref<30522x768xf32, #tpu.memory_space<hbm>>
        tpu.enqueue_indirect_dma source(%dma_start3A_184 : memref<30522x768xf32, #tpu.memory_space<hbm>>) target(%arg5 : memref<16x768xf32, #tpu.memory_space<vmem>>) offsets(%arg9 : memref<16xi32, #tpu.memory_space<vmem>>) semaphore(%arg17 : memref<!tpu.dma_semaphore, #tpu.memory_space<semaphore_mem>>)
      } else {
      }
      %dma_wait3A_166 = arith.constant 0 : i32
      %dma_wait3A_167 = arith.constant 0 : i32
      %dma_wait3A_168 = tpu.memref_slice %arg3[%dma_wait3A_166, %dma_wait3A_167] : memref<30522x768xf32, #tpu.memory_space<hbm>> -> memref<30522x768xf32, #tpu.memory_space<hbm>>
      tpu.wait_indirect_dma semaphore(%arg20 : memref<!tpu.dma_semaphore, #tpu.memory_space<semaphore_mem>>) src(%dma_wait3A_168 : memref<30522x768xf32, #tpu.memory_space<hbm>>) dst(%arg8 : memref<16x768xf32, #tpu.memory_space<vmem>>)
      %mul3A_169 = arith.constant 256 : i32
      %mul3A_170 = arith.muli %add3A, %mul3A_169 : i32
      %mul3A_171 = arith.constant 16 : i32
      %mul3A_172 = arith.muli %add3A_146, %mul3A_171 : i32
      %add3A_173 = arith.addi %mul3A_170, %mul3A_172 : i32
      %dma_start3A_174 = arith.constant 0 : i32
      %dma_start3A_175 = tpu.memref_slice %arg4[%add3A_173, %dma_start3A_174] : memref<8192x768xf32, #tpu.memory_space<hbm>> -> memref<16x768xf32, #tpu.memory_space<hbm>>
      %dma_start3A_176 = arith.constant 0 : i32
      %dma_start3A_177 = tpu.memref_slice %arg4[%add3A_173, %dma_start3A_176] : memref<8192x768xf32, #tpu.memory_space<hbm>> -> memref<16x768xf32, #tpu.memory_space<hbm>>
      tpu.enqueue_dma source(%arg8 : memref<16x768xf32, #tpu.memory_space<vmem>>) target(%dma_start3A_177 : memref<16x768xf32, #tpu.memory_space<hbm>>) target_semaphore(%arg24 : memref<!tpu.dma_semaphore, #tpu.memory_space<semaphore_mem>>)
    }
    %scan3A_28 = arith.constant 4 : i32
    %dma_wait3A_29 = arith.constant 0 : i32
    %dma_wait3A_30 = arith.constant 0 : i32
    %dma_wait3A_31 = tpu.memref_slice %arg4[%dma_wait3A_29, %dma_wait3A_30] : memref<8192x768xf32, #tpu.memory_space<hbm>> -> memref<16x768xf32, #tpu.memory_space<hbm>>
    %dma_wait3A_32 = arith.constant 0 : i32
    %dma_wait3A_33 = arith.constant 0 : i32
    %dma_wait3A_34 = tpu.memref_slice %arg4[%dma_wait3A_32, %dma_wait3A_33] : memref<8192x768xf32, #tpu.memory_space<hbm>> -> memref<16x768xf32, #tpu.memory_space<hbm>>
    tpu.wait_dma2 semaphore(%arg23 : memref<!tpu.dma_semaphore, #tpu.memory_space<semaphore_mem>>) src(%arg7 : memref<16x768xf32, #tpu.memory_space<vmem>>) dst(%dma_wait3A_34 : memref<16x768xf32, #tpu.memory_space<hbm>>)
    %dma_wait3A_35 = arith.constant 0 : i32
    %dma_wait3A_36 = arith.constant 0 : i32
    %dma_wait3A_37 = tpu.memref_slice %arg4[%dma_wait3A_35, %dma_wait3A_36] : memref<8192x768xf32, #tpu.memory_space<hbm>> -> memref<16x768xf32, #tpu.memory_space<hbm>>
    %dma_wait3A_38 = arith.constant 0 : i32
    %dma_wait3A_39 = arith.constant 0 : i32
    %dma_wait3A_40 = tpu.memref_slice %arg4[%dma_wait3A_38, %dma_wait3A_39] : memref<8192x768xf32, #tpu.memory_space<hbm>> -> memref<16x768xf32, #tpu.memory_space<hbm>>
    tpu.wait_dma2 semaphore(%arg24 : memref<!tpu.dma_semaphore, #tpu.memory_space<semaphore_mem>>) src(%arg8 : memref<16x768xf32, #tpu.memory_space<vmem>>) dst(%dma_wait3A_40 : memref<16x768xf32, #tpu.memory_space<hbm>>)
    return
  }
}

</mosaic_0001>

<sc_bundles>
// kernel: _gather_words.3.cloned.1.call-start
scs
__scs_entry_jumppad:
0x0: {  	(pc) =	sbr.rel $0x88, $3  }
0x1: {  	(tag) =	ssettag $0x0;
	lr =	simm.s32 $0x1  }
0x2: {  	[smem:$0x3F9F] =	sst lr;
	_ =	strace $0xD0000000  }
0x3: {  	_ = 	snop  }
0x4: {  	_ = 	snop  }
0x5: {  	_ = 	snop  }
0x6: {  	_ = 	snop  }
0x7: {  	_ = 	snop  }
__scs_overlays_trampoline_lowered:
0x8: {  	[smem:$0x3FAE] =	sst s0  }
0x9: {  	[smem:$0x3FAF] =	sst s1  }
0xa: {  	[smem:$0x3FB0] =	sst s2  }
0xb: {  	[smem:$0x3FB1] =	sst s3  }
0xc: {  	[smem:$0x3FB2] =	sst s4  }
0xd: {  	[smem:$0x3FB3] =	sst s5  }
0xe: {  	[smem:$0x3FB4] =	sst s6  }
0xf: {  	[smem:$0x3FB5] =	sst s7  }
0x10: {  	[smem:$0x3FB6] =	sst s8  }
0x11: {  	[smem:$0x3FB7] =	sst s9;
	s0 =	simm.s32 @!p0 $0x0  }
0x12: {  	s1 =	sld [smem:$0x3F9D];
	s0 =	simm.s32 @p0 $0x1  }
0x13: {  	[smem:$0x3FB8] =	sst s0;
	s0 =	simm.s32 @!p1 $0x0  }
0x14: {  	s2 =	sld [smem:$0x3F9C];
	s0 =	simm.s32 @p1 $0x1  }
0x15: {  	[smem:$0x3FB9] =	sst s0;
	s0 =	simm.s32 @!p2 $0x0  }
0x16: {  	s3 =	sld [smem:$0x3FDB];
	s0 =	simm.s32 @p2 $0x1  }
0x17: {  	s4 =	simm.s32 $0x1BF5;
	[smem:$0x3FBB] =	sst s0  }
0x18: {  	s0 =	sld [smem:$0x3F9E];
	_ =	swait.ge [sflag:s4], $0x0  }
0x19: {  	s7 =	sld [smem:$0x3F9F]  }
0x1a: {  	s8 =	sadd.s32 $0xFFFFE003, lr  }
0x1b: {  	s9 =	sadd.s32 $0xFFFFFEF7, lr;
	s5 =	simm.s32 $0xFFFFFFFF;
	p2 =	slt.u32 s8, $0xFFFFF086  }
0x1c: {  	p1 =	slt.u32 s9, $0xF7A;
	s5 =	simm.s32 @!p2 $0x0  }
0x1d: {  	s5 =	simm.s32 @p1 $0x1;
	p0 =	seq.s32 s7, s2  }
0x1e: {  	s7 =	smul.u32 @!p0 $0xF7A, s2;
	p2 =	seq.s32 @!p0 s5, $0x0  }
0x1f: {  	s9 =	smul.u32 $0xF7A, s1;
	s8 =	simm.s32 @!p0 $0x1BF5;
	p2 =	por !p2, p0  }
0x20: {  	[sflag:s8] =	ssyncset.s32 @!p0 $0xFFFFF086;
	s6 =	sadd.s32 @!p0 s3, s7;
	s7 =	simm.s32 @!p0 $0x108  }
0x21: {  	s3 =	sadd.s32 s3, s9;
	s6 =	sadd.s32 @!p0 $0x88, s6;
	s7 =	simm.s32 @p2 $0x1082  }
0x22: {  	[simem:s7], [sflag:s8] =	dma.local @!p0 [hbm:s6], $0xF7A  }
0x23: {  	s9 =	sor.u32 $0xD0000000, s2;
	s6 =	simm.s32 $0x108;
	_ =	swait.ge @!p0 [sflag:s8], $0x0  }
0x24: {  	s3 =	sadd.s32 $0x88, s3;
	s6 =	simm.s32 @!p1 $0x1082;
	[sflag:s4] =	ssyncset.s32 $0xFFFFF086  }
0x25: {  	[simem:s6], [sflag:s4] =	dma.local [hbm:s3], $0xF7A  }
0x26: {  	[smem:$0x3F9F] =	sst s1;
	(tag) =	ssettag s2;
	_ =	strace s9  }
0x27: {  	s1 =	sld [smem:$0x3FAF]  }
0x28: {  	s2 =	sld [smem:$0x3FB0]  }
0x29: {  	s4 =	sld [smem:$0x3FB2]  }
0x2a: {  	p0 =	seq.s32 s5, $0x0;
	s5 =	sld [smem:$0x3FB3]  }
0x2b: {  	s6 =	sld [smem:$0x3FB4]  }
0x2c: {  	s7 =	sld [smem:$0x3FB5]  }
0x2d: {  	s3 =	simm.s32 $0x108;
	s8 =	sld [smem:$0x3FB6]  }
0x2e: {  	s3 =	simm.s32 @!p0 $0x1082;
	s9 =	sld [smem:$0x3FB7]  }
0x2f: {  	lr =	sadd.s32 s0, s3;
	s0 =	sld [smem:$0x3FAE]  }
0x30: {  	s3 =	sld [smem:$0x3FB1]  }
0x31: {  	[smem:$0x3FBA] =	sst s10  }
0x32: {  	s10 =	sld [smem:$0x3FB8];
	_ =	sdelay $0x3  }
0x33: {  	p0 =	seq.s32 s10, $0x1;
	s10 =	sld [smem:$0x3FBA];
	_ =	sdelay $0x3  }
0x34: {  	[smem:$0x3FBA] =	sst s10  }
0x35: {  	s10 =	sld [smem:$0x3FB9];
	_ =	sdelay $0x3  }
0x36: {  	p1 =	seq.s32 s10, $0x1;
	s10 =	sld [smem:$0x3FBA];
	_ =	sdelay $0x3  }
0x37: {  	[smem:$0x3FBA] =	sst s10  }
0x38: {  	s10 =	sld [smem:$0x3FBB]  }
0x39: {  	_ = 	snop;
	(pc) =	sbr.ind lr, $3  }
0x3a: {  	_ = 	snop  }
0x3b: {  	_ = 	snop  }
0x3c: {  	p2 =	seq.s32 s10, $0x1;
	s10 =	sld [smem:$0x3FBA]  }
0x3d: {  	_ =	shalt  }
0x3e: {  	_ =	shalt  }
0x3f: {  	_ =	shalt  }
0x40: {  	_ =	shalt  }
0x41: {  	_ =	shalt  }
0x42: {  	_ =	shalt  }
0x43: {  	_ =	shalt  }
0x44: {  	_ =	shalt  }
0x45: {  	_ =	shalt  }
0x46: {  	_ =	shalt  }
0x47: {  	_ =	shalt  }
0x48: {  	_ =	shalt  }
0x49: {  	_ =	shalt  }
0x4a: {  	_ =	shalt  }
0x4b: {  	_ =	shalt  }
0x4c: {  	_ =	shalt  }
0x4d: {  	_ =	shalt  }
0x4e: {  	_ =	shalt  }
0x4f: {  	_ =	shalt  }
0x50: {  	_ =	shalt  }
0x51: {  	_ =	shalt  }
0x52: {  	_ =	shalt  }
0x53: {  	_ =	shalt  }
0x54: {  	_ =	shalt  }
0x55: {  	_ =	shalt  }
0x56: {  	_ =	shalt  }
0x57: {  	_ =	shalt  }
0x58: {  	_ =	shalt  }
0x59: {  	_ =	shalt  }
0x5a: {  	_ =	shalt  }
0x5b: {  	_ =	shalt  }
0x5c: {  	_ =	shalt  }
0x5d: {  	_ =	shalt  }
0x5e: {  	_ =	shalt  }
0x5f: {  	_ =	shalt  }
0x60: {  	_ =	shalt  }
0x61: {  	_ =	shalt  }
0x62: {  	_ =	shalt  }
0x63: {  	_ =	shalt  }
0x64: {  	_ =	shalt  }
0x65: {  	_ =	shalt  }
0x66: {  	_ =	shalt  }
0x67: {  	_ =	shalt  }
0x68: {  	_ =	shalt  }
0x69: {  	_ =	shalt  }
0x6a: {  	_ =	shalt  }
0x6b: {  	_ =	shalt  }
0x6c: {  	_ =	shalt  }
0x6d: {  	_ =	shalt  }
0x6e: {  	_ =	shalt  }
0x6f: {  	_ =	shalt  }
0x70: {  	_ =	shalt  }
0x71: {  	_ =	shalt  }
0x72: {  	_ =	shalt  }
0x73: {  	_ =	shalt  }
0x74: {  	_ =	shalt  }
0x75: {  	_ =	shalt  }
0x76: {  	_ =	shalt  }
0x77: {  	_ =	shalt  }
0x78: {  	_ =	shalt  }
0x79: {  	_ =	shalt  }
0x7a: {  	_ =	shalt  }
0x7b: {  	_ =	shalt  }
0x7c: {  	_ =	shalt  }
0x7d: {  	_ =	shalt  }
0x7e: {  	_ =	shalt  }
0x7f: {  	_ =	shalt  }
0x80: {  	_ =	shalt  }
0x81: {  	_ =	shalt  }
0x82: {  	_ =	shalt  }
0x83: {  	_ =	shalt  }
0x84: {  	_ =	shalt  }
0x85: {  	_ =	shalt  }
0x86: {  	_ =	shalt  }
0x87: {  	_ =	shalt  }
.Lfunc_end0:
.L_simem_size_0:
called_computation_lowered:
.L_overlay_start_0:
0x88: {  	s2 =	sld [smem:$0x3FD9]  }
0x89: {  	s3 =	sld [smem:$0x3FFE];
	_ =	sdelay $0x1  }
0x8a: {  	s1 =	srdreg.scid  }
0x8b: {  	s0 =	sand.u32 $0x1, s1  }
0x8c: {  	s18 =	sshll.u32 s0, $0xA;
	s2 =	sadd.s32 s3, s2  }
0x8d: {  	s2 =	sadd.s32 s2, s18  }
0x8e: {  	[smem:$0x3FC6] =	sst s2  }
0x8f: {  	_ = 	snop  }
0x90: {  	s2 =	sld [smem:$0x3FC9]  }
0x91: {  	s19 =	sld [smem:$0x3FC8]  }
0x92: {  	s4 =	sld [smem:$0x3FD0];
	(tm) =	ssettm $0x1  }
0x93: {  	s5 =	sld [smem:$0x3FFB];
	_ =	sdelay $0x3  }
0x94: {  	_ =	strace s5  }
0x95: {  	s5 =	sld [smem:$0x3FFC];
	_ =	sdelay $0x3  }
0x96: {  	_ =	strace s5  }
0x97: {  	s5 =	sld [smem:$0x3FFD];
	_ =	sdelay $0x3  }
0x98: {  	_ =	strace s5  }
0x99: {  	_ =	strace $0x8FFFFFFF  }
0x9a: {  	s20 =	sld [smem:$0x3FDB];
	_ =	sdelay $0x1  }
0x9b: {  	s6 =	simm.s32 $_scs_section_size  }
0x9c: {  	s7 =	simm.s32 $_size__tile_overlayer_lowered;
	s8 =	simm.s32 $_tile_overlayer_lowered  }
0x9d: {  	s23 =	simm.s32 $0x1BFF;
	s22 =	sshll.u32 s8, $0x1;
	s5 =	sadd.s32 s6, s20  }
0x9e: {  	s9 =	simm.s32 $0x0;
	s21 =	sshll.u32 s7, $0x1;
	s7 =	sadd.s32 s22, s5  }
0x9f: {  	[timem:s9], [sflag:s23] =	dma.local [hbm:s7], s21  }
0xa0: {  	_ =	swait.ge [sflag:s23], s21  }
0xa1: {  	s6 =	ssub.s32 $0x0, s21;
	[sflag:s23] =	ssyncset.done $0x0  }
0xa2: {  	[sflag:s23] =	ssyncadd.s32 s6;
	_ =	sdelay $0x1  }
0xa3: {  	s24 =	simm.s32 $0x1B8B  }
0xa4: {  	_ =	swait.ge [sflag:s24], $0x1  }
0xa5: {  	[sflag:s24] =	ssyncset.done $0x0  }
0xa6: {  	s25 =	simm.s32 $0x1B8E;
	[sflag:s24] =	ssyncadd.s32 $0xFFFFFFFF  }
0xa7: {  	s26 =	simm.s32 $execute0_lowered;
	[smem:$0x3FD2] =	sst s25  }
0xa8: {  	s6 =	sshll.u32 s26, $0x1;
	_ =	strace $0x80000046;
	[dreg:$0x1] =	wrdreg $0xFFFFFFFF  }
0xa9: {  	s28 =	simm.s32 $_size_execute0_lowered;
	s5 =	sadd.s32 s5, s6;
	[dreg:$0x0] =	wrdreg $0x0  }
0xaa: {  	s6 =	sshll.u32 s28, $0x1;
	[dreg:$0x2] =	wrdreg s5  }
0xab: {  	[dreg:$0x3] =	wrdreg s6  }
0xac: {  	[dreg:$0x4] =	wrdreg $0xC0  }
0xad: {  	_ =	task [dreg:s9], $0x5FFFF  }
0xae: {  	[dreg:$0x1] =	wrdreg $0xFFFFFFFF  }
0xaf: {  	[dreg:$0x0] =	wrdreg $0x60  }
0xb0: {  	[dreg:$0x2] =	wrdreg s2  }
0xb1: {  	[dreg:$0x3] =	wrdreg s19  }
0xb2: {  	[dreg:$0x4] =	wrdreg s4  }
0xb3: {  	[dreg:$0x5] =	wrdreg $0x9  }
0xb4: {  	_ =	task.clear_ibuf [dreg:s9], $0x6FFFF;
	_ =	strace $0x90000046  }
0xb5: {  	s29 =	simm.s32 $0x9;
	_ =	strace $0x80000048  }
0xb6: {  	_ =	swait.ge [sflag:s29], $0x1  }
0xb7: {  	[sflag:s29] =	ssyncadd.s32 $0xFFFFFFFF  }
0xb8: {  	_ =	strace $0x90000048  }
0xb9: {  	_ =	sfence  }
0xba: {  	s30 =	sld [smem:$0x0];
	_ =	sdelay $0x2  }
0xbb: {  	s31 =	sshll.u32 s1, $0xD;
	s1 =	sshrl.u32 s1, $0x2  }
0xbc: {  	s3 =	sand.u32 $0x4000, s31;
	s1 =	sadd.s32 s1, s30  }
0xbd: {  	s0 =	sor.u32 s3, s0;
	s1 =	sshll.u32 s1, $0x11  }
0xbe: {  	s0 =	sor.u32 s1, s0  }
0xbf: {  	s0 =	sadd.s32 $0x8F2B, s0  }
0xc0: {  	[sflag:s0] =	ssyncadd.remote.s32 $0x1  }
0xc1: {  	_ =	sfence.sel $0xFFFF  }
0xc2: {  	[dreg:$0x0] =	wrdreg $0xFFFFFFFF;
	(pc) =	sbr.abs _section_cstart, $3  }
0xc3: {  	[dreg:$0x1] =	wrdreg $0xFFFFFFFF  }
0xc4: {  	_ =	task.clear_ibuf [dreg:s9], $0x2FFFF;
	_ =	strace $0x9FFFFFFF  }
0xc5: {  	(tm) =	ssettm $0x7FFFFFFF  }
tec
execute0_lowered:
.L_overlay_start_1:
0x0: {  	(tag) =	ssettag $0x1  }
0x1: {  	s0 =	rddreg [dreg:$0x0]  }
0x2: {  	s2 =	rddreg [dreg:$0x1]  }
0x3: {  	s1 =	srdreg.scid;
	s4 =	rddreg [dreg:$0x2]  }
0x4: {  	s3 =	stileid.u32;
	s28 =	simm.s32 $0x3000;
	s16 =	simm.s32 $0x5  }
0x5: {  	s17 =	simm.s32 $0x3;
	s18 =	simm.s32 $0x6000;
	s12 =	simm.s32 $0xA000  }
0x6: {  	s13 =	simm.s32 $0xA800;
	s15 =	simm.s32 $0xB000;
	s19 =	simm.s32 $0xB800  }
0x7: {  	s29 =	simm.s32 $0x8;
	s30 =	simm.s32 $0xC;
	s1 =	sand.u32 $0x1, s1  }
0x8: {  	s5 =	sshll.u32 s3, $0x9;
	s3 =	simm.s32 $0x0;
	s6 =	sshll.u32 s1, $0x8  }
0x9: {  	s1 =	ssub.s32 $0x2, s1;
	[smem:$0x7FF] =	sst s3;
	s5 =	sor.u32 s6, s5  }
0xa: {  	s21 =	sshrl.u32 s1, $0x1;
	_ =	strace $0x80000047;
	s7 =	sshrl.u32 s5, $0x3  }
0xb: {  	s1 =	ssub.s32 s1, s21;
	s24 =	sor.u32 $0x40, s5;
	s25 =	sor.u32 $0x30, s5  }
0xc: {  	s9 =	sor.u32 $0x50, s5;
	s5 =	sor.u32 $0x60, s5;
	s22 =	sadd.s32 s0, s7  }
0xd: {  	s23 =	smul.u32 $0x300, s7;
	s7 =	sadd.s32 $0x100, s2;
	s1 =	smax.u32 s1, $0x1  }
0xe: {  	s9 =	sshrl.u32 s9, $0x3;
	s31 =	sshrl.u32 s5, $0x3;
	[dreg:$0x4] =	wrdreg s22  }
0xf: {  	s5 =	simm.s32 $0x6;
	s8 =	sadd.s32 $0x2, s22;
	[dreg:$0x7] =	wrdreg s1  }
0x10: {  	s6 =	sadd.s32 $0x4, s22;
	s1 =	sshrl.u32 s24, $0x3;
	[dreg:$0x5] =	wrdreg s8  }
0x11: {  	s26 =	sadd.s32 s9, s0;
	s9 =	simm.s32 $0x4;
	[dreg:$0x6] =	wrdreg s6  }
0x12: {  	s8 =	sadd.s32 $0x200, s2;
	s10 =	sadd.s32 s23, s4;
	s6 =	sshrl.u32 s25, $0x3  }
0x13: {  	s1 =	sadd.s32 s1, s0;
	[dreg:$0x9] =	wrdreg s26;
	s26 =	simm.s32 $0x2  }
0x14: {  	s25 =	simm.s32 $0x7;
	[dreg:$0x8] =	wrdreg s1;
	s1 =	sadd.s32 s31, s0  }
0x15: {  	v2 =	vlaneseq.u32;
	s11 =	smul.u32 $0x300, s6;
	s0 =	sadd.s32 s6, s0;
	[dreg:$0xa] =	wrdreg s1  }
0x16: {  	vm0 =	vmmov $0xffff;
	v1 =	vshrl.u32 v2, $0x3;
	s6 =	simm.s32 $0x9;
	[dreg:$0xb] =	wrdreg s0;
	s1 =	simm.s32 $0x0  }
0x17: {  	v0 =	vand.u32 $0x7, v2;
	v2 =	vor.u32 $0x8, v2;
	v1 =	vmul.u32 $0x8, v1;
	s14 =	sadd.s32 s11, s4;
	s4 =	simm.s32 $0x9000;
	s11 =	simm.s32 $0x9800  }
.LBB2_1:
0x18: {  	[dreg:$0xc] =	wrdreg s1  }
0x19: {  	s0 =	rddreg [dreg:$0x4];
	s20 =	simm.s32 $0xC000  }
0x1a: {  	[tilespmem:s20], [sflag:$0x1] =	stream.linear.gather [hbm4b:s0+s3], $0x10, $0x38;
	[tilespmem:$0xC200] =	vst v63  }
0x1b: {  	s21 =	rddreg [dreg:$0x5];
	s22 =	simm.s32 $0xC080  }
0x1c: {  	[tilespmem:s22], [sflag:$0x2] =	stream.linear.gather [hbm4b:s21+s3], $0x10, $0x38;
	[tilespmem:$0xC200] =	vst v63  }
0x1d: {  	s23 =	rddreg [dreg:$0x6];
	s24 =	simm.s32 $0xC100;
	s1 =	simm.s32 $0x1  }
0x1e: {  	[tilespmem:s24], [sflag:$0x3] =	stream.linear.gather [hbm4b:s23+s3], $0x10, $0x38;
	[tilespmem:$0xC200] =	vst v63  }
0x1f: {  	_ =	swait.ge [sflag:s1], $0x10  }
0x20: {  	[sflag:s1] =	ssyncset.done $0x0  }
0x21: {  	[sflag:s1] =	ssyncadd.s32 $0xFFFFFFF0  }
0x22: {  	v3 =	vld [tilespmem:$0xC000];
	_ =	sdelay $0x4  }
0x23: {  	v4 =	vshrl.u32 v3, $0x3  }
0x24: {  	v4 =	vmul.u32 $0x30, v4  }
0x25: {  	v3 =	vand.u32 $0x7, v3  }
0x26: {  	v3 =	vor.u32 v3, v4  }
0x27: {  	v4 =	vperm.xlane v3, v0;
	_ =	sdelay $0x1  }
0x28: {  	v4 =	vadd.s32 v1, v4;
	_ =	sdelay $0x3  }
0x29: {  	v3 =	vperm.xlane v3, v2  }
0x2a: {  	[tilespmem:s3], [sflag:$0x5] =	stream.indirect_vreg.gather [hbm4b:s2+s3], $0x80, v4, vm0, $0xb8;
	[tilespmem:$0xC200] =	vst v63  }
0x2b: {  	s20 =	simm.s32 $0x800;
	v3 =	vadd.s32 v1, v3  }
0x2c: {  	[tilespmem:s20], [sflag:$0x5] =	stream.indirect_vreg.gather [hbm4b:s7+s3], $0x80, v4, vm0, $0xb8;
	[tilespmem:$0xC200] =	vst v63  }
0x2d: {  	s21 =	simm.s32 $0x1000;
	s31 =	rddreg [dreg:$0xb]  }
0x2e: {  	[tilespmem:s21], [sflag:$0x5] =	stream.indirect_vreg.gather [hbm4b:s8+s3], $0x80, v4, vm0, $0xb8;
	[tilespmem:$0xC200] =	vst v63  }
0x2f: {  	s22 =	simm.s32 $0x1800;
	s0 =	rddreg [dreg:$0xa]  }
0x30: {  	[tilespmem:s22], [sflag:$0x5] =	stream.indirect_vreg.gather [hbm4b:s2+s3], $0x80, v3, vm0, $0xb8;
	[tilespmem:$0xC200] =	vst v63  }
0x31: {  	s23 =	simm.s32 $0x2000;
	s1 =	rddreg [dreg:$0x9]  }
0x32: {  	[tilespmem:s23], [sflag:$0x5] =	stream.indirect_vreg.gather [hbm4b:s7+s3], $0x80, v3, vm0, $0xb8;
	[tilespmem:$0xC200] =	vst v63  }
0x33: {  	s24 =	simm.s32 $0x2800;
	s20 =	rddreg [dreg:$0x8];
	s21 =	simm.s32 $0x0  }
0x34: {  	[tilespmem:s24], [sflag:$0x5] =	stream.indirect_vreg.gather [hbm4b:s8+s3], $0x80, v3, vm0, $0xb8;
	[tilespmem:$0xC200] =	vst v63  }
.LBB2_2:
0x35: {  	s22 =	simm.s32 $0xC180;
	p0 =	seq.s32 s21, $0x0  }
0x36: {  	[tilespmem:s22], [sflag:$0x4] =	stream.linear.gather [hbm4b:s31+s3], $0x10, $0x38;
	[tilespmem:$0xC200] =	vst v63  }
0x37: {  	s22 =	simm.s32 @!p0 $0xB  }
0x38: {  	_ =	swait.ge @!p0 [sflag:s22], $0x3000  }
0x39: {  	[sflag:s22] =	ssyncset.done @!p0 $0x0  }
0x3a: {  	[sflag:s22] =	ssyncadd.s32 @!p0 $0xFFFFD000  }
0x3b: {  	_ =	swait.ge [sflag:s26], $0x10  }
0x3c: {  	[sflag:s26] =	ssyncset.done $0x0  }
0x3d: {  	[sflag:s26] =	ssyncadd.s32 $0xFFFFFFF0  }
0x3e: {  	v3 =	vld [tilespmem:$0xC080];
	_ =	sdelay $0x4  }
0x3f: {  	v4 =	vshrl.u32 v3, $0x3  }
0x40: {  	v4 =	vmul.u32 $0x30, v4  }
0x41: {  	v3 =	vand.u32 $0x7, v3  }
0x42: {  	v3 =	vor.u32 v3, v4  }
0x43: {  	v4 =	vperm.xlane v3, v0;
	_ =	sdelay $0x1  }
0x44: {  	v4 =	vadd.s32 v1, v4;
	_ =	sdelay $0x3  }
0x45: {  	v3 =	vperm.xlane v3, v2  }
0x46: {  	[tilespmem:s28], [sflag:$0x6] =	stream.indirect_vreg.gather [hbm4b:s2+s3], $0x80, v4, vm0, $0xb8;
	[tilespmem:$0xC200] =	vst v63  }
0x47: {  	s23 =	simm.s32 $0x3800;
	v3 =	vadd.s32 v1, v3  }
0x48: {  	[tilespmem:s23], [sflag:$0x6] =	stream.indirect_vreg.gather [hbm4b:s7+s3], $0x80, v4, vm0, $0xb8;
	[tilespmem:$0xC200] =	vst v63  }
0x49: {  	s24 =	simm.s32 $0x4000  }
0x4a: {  	[tilespmem:s24], [sflag:$0x6] =	stream.indirect_vreg.gather [hbm4b:s8+s3], $0x80, v4, vm0, $0xb8;
	[tilespmem:$0xC200] =	vst v63  }
0x4b: {  	s23 =	simm.s32 $0x4800  }
0x4c: {  	[tilespmem:s23], [sflag:$0x6] =	stream.indirect_vreg.gather [hbm4b:s2+s3], $0x80, v3, vm0, $0xb8;
	[tilespmem:$0xC200] =	vst v63  }
0x4d: {  	s24 =	simm.s32 $0x5000  }
0x4e: {  	[tilespmem:s24], [sflag:$0x6] =	stream.indirect_vreg.gather [hbm4b:s7+s3], $0x80, v3, vm0, $0xb8;
	[tilespmem:$0xC200] =	vst v63  }
0x4f: {  	s23 =	simm.s32 $0x5800  }
0x50: {  	[tilespmem:s23], [sflag:$0x6] =	stream.indirect_vreg.gather [hbm4b:s8+s3], $0x80, v3, vm0, $0xb8;
	[tilespmem:$0xC200] =	vst v63  }
0x51: {  	_ =	swait.ge [sflag:s16], $0x3000  }
0x52: {  	p0 =	seq.s32 s21, $0x4800;
	[sflag:s16] =	ssyncset.done $0x0  }
0x53: {  	s22 =	sadd.s32 s21, s10;
	p1 =	seq.s32 @!p0 s21, $0x0;
	[sflag:s16] =	ssyncadd.s32 $0xFFFFD000  }
0x54: {  	[hbm4b:s22+s3] =	stream.linear.scatter [tilespmem:s3], [sflag:$0x9], $0x3000, $0x38;
	[tilespmem:$0xC200] =	vst v63  }
0x55: {  	p1 =	por p0, !p1;
	s24 =	simm.s32 @!p0 $0xC000;
	s23 =	simm.s32 @!p0 $0x0  }
0x56: {  	[tilespmem:s24], [sflag:$0x1] =	stream.linear.gather @!p0 [hbm4b:s20+s23], $0x10, $0x38;
	[tilespmem:$0xC200] =	vst v63  }
0x57: {  	_ =	swait.ge @p1 [sflag:s30], $0x3000  }
0x58: {  	[sflag:s30] =	ssyncset.done @p1 $0x0  }
0x59: {  	[sflag:s30] =	ssyncadd.s32 @p1 $0xFFFFD000  }
0x5a: {  	_ =	swait.ge [sflag:s17], $0x10  }
0x5b: {  	[sflag:s17] =	ssyncset.done $0x0  }
0x5c: {  	[sflag:s17] =	ssyncadd.s32 $0xFFFFFFF0  }
0x5d: {  	v3 =	vld [tilespmem:$0xC100];
	_ =	sdelay $0x4  }
0x5e: {  	v62 =	vshrl.u32 v3, $0x3  }
0x5f: {  	v4 =	vmul.u32 $0x30, v62  }
0x60: {  	v3 =	vand.u32 $0x7, v3  }
0x61: {  	v3 =	vor.u32 v3, v4  }
0x62: {  	v4 =	vperm.xlane v3, v0;
	_ =	sdelay $0x1  }
0x63: {  	v4 =	vadd.s32 v1, v4;
	_ =	sdelay $0x3  }
0x64: {  	v3 =	vperm.xlane v3, v2  }
0x65: {  	[tilespmem:s18], [sflag:$0x7] =	stream.indirect_vreg.gather [hbm4b:s2+s3], $0x80, v4, vm0, $0xb8;
	[tilespmem:$0xC200] =	vst v63  }
0x66: {  	s24 =	simm.s32 $0x6800;
	v3 =	vadd.s32 v1, v3  }
0x67: {  	[tilespmem:s24], [sflag:$0x7] =	stream.indirect_vreg.gather [hbm4b:s7+s3], $0x80, v4, vm0, $0xb8;
	[tilespmem:$0xC200] =	vst v63  }
0x68: {  	s24 =	simm.s32 $0x7000  }
0x69: {  	[tilespmem:s24], [sflag:$0x7] =	stream.indirect_vreg.gather [hbm4b:s8+s3], $0x80, v4, vm0, $0xb8;
	[tilespmem:$0xC200] =	vst v63  }
0x6a: {  	s24 =	simm.s32 $0x7800  }
0x6b: {  	[tilespmem:s24], [sflag:$0x7] =	stream.indirect_vreg.gather [hbm4b:s2+s3], $0x80, v3, vm0, $0xb8;
	[tilespmem:$0xC200] =	vst v63  }
0x6c: {  	s24 =	simm.s32 $0x8000  }
0x6d: {  	[tilespmem:s24], [sflag:$0x7] =	stream.indirect_vreg.gather [hbm4b:s7+s3], $0x80, v3, vm0, $0xb8;
	[tilespmem:$0xC200] =	vst v63  }
0x6e: {  	s24 =	simm.s32 $0x8800  }
0x6f: {  	[tilespmem:s24], [sflag:$0x7] =	stream.indirect_vreg.gather [hbm4b:s8+s3], $0x80, v3, vm0, $0xb8;
	[tilespmem:$0xC200] =	vst v63  }
0x70: {  	_ =	swait.ge [sflag:s5], $0x3000  }
0x71: {  	[sflag:s5] =	ssyncset.done $0x0  }
0x72: {  	s24 =	sadd.s32 $0x600, s22;
	[sflag:s5] =	ssyncadd.s32 $0xFFFFD000  }
0x73: {  	[hbm4b:s24+s3] =	stream.linear.scatter [tilespmem:s28], [sflag:$0xA], $0x3000, $0x38;
	[tilespmem:$0xC200] =	vst v63  }
0x74: {  	s24 =	simm.s32 @!p0 $0xC080  }
0x75: {  	[tilespmem:s24], [sflag:$0x2] =	stream.linear.gather @!p0 [hbm4b:s1+s23], $0x10, $0x38;
	[tilespmem:$0xC200] =	vst v63  }
0x76: {  	_ =	swait.ge [sflag:s6], $0x3000  }
0x77: {  	[sflag:s6] =	ssyncset.done $0x0  }
0x78: {  	[sflag:s6] =	ssyncadd.s32 $0xFFFFD000  }
0x79: {  	_ =	swait.ge [sflag:s9], $0x10  }
0x7a: {  	[sflag:s9] =	ssyncset.done $0x0  }
0x7b: {  	[sflag:s9] =	ssyncadd.s32 $0xFFFFFFF0  }
0x7c: {  	v3 =	vld [tilespmem:$0xC180];
	_ =	sdelay $0x4  }
0x7d: {  	v63 =	vshrl.u32 v3, $0x3  }
0x7e: {  	v4 =	vmul.u32 $0x30, v63  }
0x7f: {  	v3 =	vand.u32 $0x7, v3  }
0x80: {  	v3 =	vor.u32 v3, v4  }
0x81: {  	v4 =	vperm.xlane v3, v0;
	_ =	sdelay $0x1  }
0x82: {  	v4 =	vadd.s32 v1, v4;
	_ =	sdelay $0x3  }
0x83: {  	v3 =	vperm.xlane v3, v2  }
0x84: {  	[tilespmem:s4], [sflag:$0x8] =	stream.indirect_vreg.gather [hbm4b:s2+s3], $0x80, v4, vm0, $0xb8;
	[tilespmem:$0xC200] =	vst v63  }
0x85: {  	v3 =	vadd.s32 v1, v3  }
0x86: {  	[tilespmem:s11], [sflag:$0x8] =	stream.indirect_vreg.gather [hbm4b:s7+s3], $0x80, v4, vm0, $0xb8;
	[tilespmem:$0xC200] =	vst v63  }
0x87: {  	_ = 	snop  }
0x88: {  	[tilespmem:s12], [sflag:$0x8] =	stream.indirect_vreg.gather [hbm4b:s8+s3], $0x80, v4, vm0, $0xb8;
	[tilespmem:$0xC200] =	vst v63  }
0x89: {  	_ = 	snop  }
0x8a: {  	[tilespmem:s13], [sflag:$0x8] =	stream.indirect_vreg.gather [hbm4b:s2+s3], $0x80, v3, vm0, $0xb8;
	[tilespmem:$0xC200] =	vst v63  }
0x8b: {  	_ = 	snop  }
0x8c: {  	[tilespmem:s15], [sflag:$0x8] =	stream.indirect_vreg.gather [hbm4b:s7+s3], $0x80, v3, vm0, $0xb8;
	[tilespmem:$0xC200] =	vst v63  }
0x8d: {  	_ = 	snop  }
0x8e: {  	[tilespmem:s19], [sflag:$0x8] =	stream.indirect_vreg.gather [hbm4b:s8+s3], $0x80, v3, vm0, $0xb8;
	[tilespmem:$0xC200] =	vst v63  }
0x8f: {  	_ =	swait.ge [sflag:s25], $0x3000  }
0x90: {  	[sflag:s25] =	ssyncset.done $0x0  }
0x91: {  	s22 =	sadd.s32 $0xC00, s22;
	p0 =	sne.s32 s21, $0x4800;
	[sflag:s25] =	ssyncadd.s32 $0xFFFFD000  }
0x92: {  	[hbm4b:s22+s3] =	stream.linear.scatter [tilespmem:s18], [sflag:$0xB], $0x3000, $0x38;
	[tilespmem:$0xC200] =	vst v63  }
0x93: {  	s23 =	simm.s32 @p0 $0xC100;
	s22 =	simm.s32 @p0 $0x0  }
0x94: {  	[tilespmem:s23], [sflag:$0x3] =	stream.linear.gather @p0 [hbm4b:s0+s22], $0x10, $0x38;
	[tilespmem:$0xC200] =	vst v63  }
0x95: {  	s23 =	simm.s32 @p0 $0xA  }
0x96: {  	_ =	swait.ge @p0 [sflag:s23], $0x3000  }
0x97: {  	[sflag:s23] =	ssyncset.done @p0 $0x0  }
0x98: {  	[sflag:s23] =	ssyncadd.s32 @p0 $0xFFFFD000;
	s23 =	simm.s32 @p0 $0x1  }
0x99: {  	_ =	swait.ge @p0 [sflag:s23], $0x10  }
0x9a: {  	[sflag:s23] =	ssyncset.done @p0 $0x0  }
0x9b: {  	[sflag:s23] =	ssyncadd.s32 @p0 $0xFFFFFFF0  }
0x9c: {  	v3 =	vld @p0 [tilespmem:$0xC000];
	_ =	sdelay $0x4  }
0x9d: {  	v4 =	vshrl.u32 @p0 v3, $0x3  }
0x9e: {  	v4 =	vmul.u32 @p0 $0x30, v4  }
0x9f: {  	v5 =	vlaneseq.u32 @p0;
	v3 =	vand.u32 @p0 $0x7, v3  }
0xa0: {  	v6 =	vshrl.u32 @p0 v5, $0x3;
	v3 =	vor.u32 @p0 v3, v4;
	v4 =	vand.u32 @p0 $0x7, v5  }
0xa1: {  	v6 =	vmul.u32 @p0 $0x8, v6;
	v4 =	vperm.xlane @p0 v3, v4;
	_ =	sdelay $0x1  }
0xa2: {  	v4 =	vadd.s32 @p0 v6, v4;
	_ =	sdelay $0x2  }
0xa3: {  	v5 =	vor.u32 @p0 $0x8, v5  }
0xa4: {  	vm1 =	vmmov @p0 $0xffff;
	v3 =	vperm.xlane @p0 v3, v5  }
0xa5: {  	[tilespmem:s22], [sflag:$0x5] =	stream.indirect_vreg.gather @p0 [hbm4b:s2+s22], $0x80, v4, vm1, $0xb8;
	[tilespmem:$0xC200] =	vst v63  }
0xa6: {  	s23 =	simm.s32 @p0 $0x800;
	v3 =	vadd.s32 @p0 v6, v3  }
0xa7: {  	[tilespmem:s23], [sflag:$0x5] =	stream.indirect_vreg.gather @p0 [hbm4b:s7+s22], $0x80, v4, vm1, $0xb8;
	[tilespmem:$0xC200] =	vst v63  }
0xa8: {  	s23 =	simm.s32 @p0 $0x1000  }
0xa9: {  	[tilespmem:s23], [sflag:$0x5] =	stream.indirect_vreg.gather @p0 [hbm4b:s8+s22], $0x80, v4, vm1, $0xb8;
	[tilespmem:$0xC200] =	vst v63  }
0xaa: {  	s23 =	simm.s32 @p0 $0x1800  }
0xab: {  	[tilespmem:s23], [sflag:$0x5] =	stream.indirect_vreg.gather @p0 [hbm4b:s2+s22], $0x80, v3, vm1, $0xb8;
	[tilespmem:$0xC200] =	vst v63  }
0xac: {  	s23 =	simm.s32 @p0 $0x2000  }
0xad: {  	[tilespmem:s23], [sflag:$0x5] =	stream.indirect_vreg.gather @p0 [hbm4b:s7+s22], $0x80, v3, vm1, $0xb8;
	[tilespmem:$0xC200] =	vst v63  }
0xae: {  	s23 =	simm.s32 @p0 $0x2800  }
0xaf: {  	[tilespmem:s23], [sflag:$0x5] =	stream.indirect_vreg.gather @p0 [hbm4b:s8+s22], $0x80, v3, vm1, $0xb8;
	[tilespmem:$0xC200] =	vst v63  }
0xb0: {  	s22 =	simm.s32 @!p0 $0xA  }
0xb1: {  	_ =	swait.ge @!p0 [sflag:s22], $0x3000  }
0xb2: {  	s24 =	sadd.s32 s21, s14;
	s21 =	sadd.s32 $0x1800, s21;
	[sflag:s22] =	ssyncset.done @!p0 $0x0  }
0xb3: {  	[sflag:s22] =	ssyncadd.s32 @!p0 $0xFFFFD000;
	p0 =	sne.s32 s21, $0x6000  }
.Ltmp0:
0xb4: {  	_ = 	snop;
	(pc) =	sbr.rel @p0 .LBB2_2-.Ltmp0, $4  }
0xb5: {  	_ =	swait.ge [sflag:s29], $0x3000  }
0xb6: {  	s31 =	sadd.s32 $0x8, s31;
	s20 =	sadd.s32 $0x8, s20;
	[sflag:s29] =	ssyncset.done $0x0  }
0xb7: {  	s1 =	sadd.s32 $0x8, s1;
	s0 =	sadd.s32 $0x8, s0;
	[sflag:s29] =	ssyncadd.s32 $0xFFFFD000  }
0xb8: {  	[hbm4b:s24+s3] =	stream.linear.scatter [tilespmem:s4], [sflag:$0xC], $0x3000, $0x38;
	[tilespmem:$0xC200] =	vst v63  }
0xb9: {  	s0 =	simm.s32 $0xB  }
0xba: {  	_ =	swait.ge [sflag:s0], $0x3000  }
0xbb: {  	[sflag:s0] =	ssyncset.done $0x0  }
0xbc: {  	[sflag:s0] =	ssyncadd.s32 $0xFFFFD000  }
0xbd: {  	_ =	swait.ge [sflag:s30], $0x3000  }
0xbe: {  	s1 =	rddreg [dreg:$0xc]  }
0xbf: {  	s31 =	rddreg [dreg:$0x7];
	s1 =	sadd.s32 $0x1, s1  }
0xc0: {  	p0 =	sne.s32 s1, s31  }
.Ltmp1:
0xc1: {  	_ = 	snop;
	(pc) =	sbr.rel @p0 .LBB2_1-.Ltmp1, $3  }
0xc2: {  	_ =	sdelay $0x1  }
0xc3: {  	[sflag:s30] =	ssyncset.done $0x0  }
0xc4: {  	[sflag:s30] =	ssyncadd.s32 $0xFFFFD000  }
0xc5: {  	_ =	sfence.sel $0x180000  }
0xc6: {  	[bflag:$0x0] =	sbarrier.arrive $0xFFFF  }
0xc7: {  	_ =	strace $0x90000047  }
0xc8: {  	s0 =	stileid.u32;
	[bflag:$0x2] =	sbarrier.arrive $0xFFFF  }
0xc9: {  	p0 =	sne.s32 s0, $0x0;
	s0 =	rddreg [dreg:$0x3]  }
0xca: {  	s0 =	sadd.s32 @!p0 $0x100000, s0  }
0xcb: {  	[sflag:s0] =	ssyncadd.tile.s32 @!p0 $0x1;
	_ =	shalt  }
.Lfunc_end2:
_tile_overlayer_lowered:
.L_overlay_start_2:
0xcc: {  	(tag) =	ssettag $0x2  }
0xcd: {  	s0 =	rddreg [dreg:$0x0];
	s2 =	stileid.u32  }
0xce: {  	s1 =	rddreg [dreg:$0x1];
	p0 =	sne.s32 s2, $0x0  }
0xcf: {  	s3 =	rddreg [dreg:$0x2];
	[bflag:$0x3] =	sbarrier.arrive $0xFFFF;
	s2 =	simm.s32 @!p0 $0x1C0D  }
0xd0: {  	[timem:s3], [sflag:s2] =	dma.local @!p0 [hbm:s0], s1  }
0xd1: {  	s0 =	simm.s32 @!p0 $0xD  }
0xd2: {  	_ =	swait.ge @!p0 [sflag:s0], s1  }
0xd3: {  	s1 =	ssub.s32 @!p0 $0x0, s1;
	[sflag:s0] =	ssyncset.done @!p0 $0x0  }
0xd4: {  	[sflag:s0] =	ssyncadd.s32 @!p0 s1  }
0xd5: {  	[bflag:$0x3] =	sbarrier.arrive $0xFFFF  }
0xd6: {  	_ =	shalt  }

</sc_bundles>
